<compile_context>
chip_gen: v7x
topology: tpu7x:2x2x1
jax: 0.10.2.dev20260603
libtpu: 0.0.44.dev20260713+nightly
codegen_flags: <defaults>
</compile_context>

<pallas_src>
import functools

import jax
import jax.numpy as jnp
from jax import lax
from jax.experimental import pallas as pl
from jax.experimental.pallas import tpu as pltpu
from jax.experimental.pallas import tpu_sc as plsc

_NC = 2
_NS = 16
_NW = _NC * _NS


@jax.jit
def _sc_gather(x, table):
    Bx, S = x.shape
    V, D = table.shape
    B = Bx * S
    b_per_w = B // _NW
    C = 128
    n_chunks = b_per_w // C
    w_per_row = S // b_per_w

    mesh = plsc.VectorSubcoreMesh(core_axis_name="c", subcore_axis_name="s")

    @functools.partial(
        pl.kernel,
        mesh=mesh,
        out_type=jax.ShapeDtypeStruct((B, D), jnp.float32),
        scratch_types=[
            pltpu.VMEM((b_per_w,), jnp.int32),
            pltpu.VMEM((C, D), jnp.float32),
            pltpu.SemaphoreType.DMA,
        ],
    )
    def k(x_hbm, table_hbm, out_hbm, idx_v, rows_v, sem):
        wid = lax.axis_index("s") * _NC + lax.axis_index("c")
        base = wid * b_per_w
        r = wid // w_per_row
        col = (wid % w_per_row) * b_per_w
        pltpu.sync_copy(x_hbm.at[r, pl.ds(col, b_per_w)], idx_v)
        for g in range(n_chunks):
            pltpu.async_copy(
                table_hbm.at[idx_v.at[pl.ds(g * C, C)]], rows_v, sem
            ).wait()
            plsc.subcore_barrier()
            pltpu.sync_copy(rows_v, out_hbm.at[pl.ds(base + g * C, C)])
            plsc.subcore_barrier()

    return k(x, table)


def kernel(x, W_E):
    B, S = x.shape
    V, D = W_E.shape
    out = _sc_gather(x.astype(jnp.int32), W_E)
    return out.reshape(B, S, D)

# --- scband reference (transcript-rebuilt; emitter-appended) ---
"""Pipeline reference for scband-embedding-42356967473220 (READ-ONLY COPY).

The authoritative reference and input builder live on the scoring server;
editing this copy changes nothing except your own understanding.
"""

import jax, jax.numpy as jnp
import numpy as np

VOCAB = 50257
D_MODEL = 768
BATCH = 4
SEQ_LEN = 2048


def setup_inputs(seed: int = 0) -> dict:
    key = jax.random.key(seed)
    k_idx, k_w = jax.random.split(key)
    x = jax.random.randint(k_idx, (BATCH, SEQ_LEN), 0, VOCAB, dtype=jnp.int64 if jax.config.jax_enable_x64 else jnp.int32)
    W_E = jax.random.normal(k_w, (VOCAB, D_MODEL), dtype=jnp.float32) * 0.02
    return {"x": x, "W_E": W_E}


def reference(x, W_E):
    # Embedding lookup: W_E[x] -> [batch, seq_len, d_model]
    return jnp.take(W_E, x, axis=0)

if __name__ == "__main__":
    import jax
    _d = setup_inputs()
    print(jax.jit(kernel)(*tuple(_d.values())))

</pallas_src>

<mosaic_0001>
#map = affine_map<(d0, d1) -> (0, 0)>
module attributes {stable_mosaic.version = 14 : i64} {
  func.func @k(%arg0: i32, %arg1: i32, %arg2: memref<4x2048xi32, #tpu.memory_space<hbm>>, %arg3: memref<50257x768xf32, #tpu.memory_space<hbm>>, %arg4: memref<8192x768xf32, #tpu.memory_space<hbm>>, %arg5: memref<256xi32, #tpu.memory_space<vmem>>, %arg6: memref<128x768xf32, #tpu.memory_space<vmem>>, %arg7: memref<!tpu.dma_semaphore, #tpu.memory_space<semaphore_mem>>) attributes {dimension_semantics = [#tpu.dimension_semantics<core_parallel>, #tpu.dimension_semantics<subcore_parallel>], iteration_bounds = array<i64: 2, 16>, scalar_prefetch = 0 : i64, scratch_operands = 3 : i64, tpu.core_type = #tpu.core_type<sc_vector_subcore>, window_params = [{transform_indices = #map}, {transform_indices = #map}, {transform_indices = #map}]} {
    %mul3A = arith.constant 2 : i32
    %mul3A_0 = arith.muli %arg1, %mul3A : i32
    %add3A = arith.addi %mul3A_0, %arg0 : i32
    %mul3A_1 = arith.constant 256 : i32
    %mul3A_2 = arith.muli %add3A, %mul3A_1 : i32
    %jit3A = arith.constant 8 : i32
    %div3A = arith.divsi %add3A, %jit3A : i32
    %sign3A = arith.constant 0 : i32
    %sign3A_3 = arith.cmpi sgt, %add3A, %sign3A : i32
    %sign3A_4 = arith.extui %sign3A_3 : i1 to i32
    %sign3A_5 = arith.constant 0 : i32
    %sign3A_6 = arith.cmpi slt, %add3A, %sign3A_5 : i32
    %sign3A_7 = arith.extui %sign3A_6 : i1 to i32
    %sign3A_8 = arith.subi %sign3A_4, %sign3A_7 : i32
    %sign3A_9 = arith.constant 0 : i32
    %sign3A_10 = arith.cmpi sgt, %jit3A, %sign3A_9 : i32
    %sign3A_11 = arith.extui %sign3A_10 : i1 to i32
    %sign3A_12 = arith.constant 0 : i32
    %sign3A_13 = arith.cmpi slt, %jit3A, %sign3A_12 : i32
    %sign3A_14 = arith.extui %sign3A_13 : i1 to i32
    %sign3A_15 = arith.subi %sign3A_11, %sign3A_14 : i32
    %ne3A = arith.cmpi ne, %sign3A_8, %sign3A_15 : i32
    %rem3A = arith.remsi %add3A, %jit3A : i32
    %ne3A_16 = arith.constant 0 : i32
    %ne3A_17 = arith.cmpi ne, %rem3A, %ne3A_16 : i32
    %and3A = arith.andi %ne3A, %ne3A_17 : i1
    %sub3A = arith.constant 1 : i32
    %sub3A_18 = arith.subi %div3A, %sub3A : i32
    %select_n3A = arith.select %and3A, %sub3A_18, %div3A : i32
    %jit3A_19 = arith.constant 8 : i32
    %eq3A = arith.constant 0 : i32
    %eq3A_20 = arith.cmpi eq, %jit3A_19, %eq3A : i32
    %jit3A_21 = arith.constant 1 : i32
    %select_n3A_22 = arith.select %eq3A_20, %jit3A_21, %jit3A_19 : i32
    %rem3A_23 = arith.remsi %add3A, %select_n3A_22 : i32
    %ne3A_24 = arith.constant 0 : i32
    %ne3A_25 = arith.cmpi ne, %rem3A_23, %ne3A_24 : i32
    %lt3A = arith.constant 0 : i32
    %lt3A_26 = arith.cmpi slt, %rem3A_23, %lt3A : i32
    %lt3A_27 = arith.constant 0 : i32
    %lt3A_28 = arith.cmpi slt, %select_n3A_22, %lt3A_27 : i32
    %ne3A_29 = arith.xori %lt3A_26, %lt3A_28 : i1
    %and3A_30 = arith.andi %ne3A_29, %ne3A_25 : i1
    %add3A_31 = arith.addi %rem3A_23, %select_n3A_22 : i32
    %select_n3A_32 = arith.select %and3A_30, %add3A_31, %rem3A_23 : i32
    %mul3A_33 = arith.constant 256 : i32
    %mul3A_34 = arith.muli %select_n3A_32, %mul3A_33 : i32
    "tpu.region"() ({
      %run_scoped3A = tpu.sem_alloc : memref<!tpu.dma_semaphore, #tpu.memory_space<semaphore_mem>>
      %dma_start3A_60 = tpu.memref_slice %arg2[%select_n3A, %mul3A_34] : memref<4x2048xi32, #tpu.memory_space<hbm>> -> memref<1x256xi32, #tpu.memory_space<hbm>>
      %dma_start3A_61 = tpu.memref_squeeze %dma_start3A_60 : memref<1x256xi32, #tpu.memory_space<hbm>> -> memref<256xi32, #tpu.memory_space<hbm>>
      %dma_start3A_62 = tpu.memref_slice %arg2[%select_n3A, %mul3A_34] : memref<4x2048xi32, #tpu.memory_space<hbm>> -> memref<1x256xi32, #tpu.memory_space<hbm>>
      %dma_start3A_63 = tpu.memref_squeeze %dma_start3A_62 : memref<1x256xi32, #tpu.memory_space<hbm>> -> memref<256xi32, #tpu.memory_space<hbm>>
      tpu.enqueue_dma source(%dma_start3A_63 : memref<256xi32, #tpu.memory_space<hbm>>) target(%arg5 : memref<256xi32, #tpu.memory_space<vmem>>) target_semaphore(%run_scoped3A : memref<!tpu.dma_semaphore, #tpu.memory_space<semaphore_mem>>)
      %dma_wait3A_64 = tpu.memref_slice %arg2[%select_n3A, %mul3A_34] : memref<4x2048xi32, #tpu.memory_space<hbm>> -> memref<1x256xi32, #tpu.memory_space<hbm>>
      %dma_wait3A_65 = tpu.memref_squeeze %dma_wait3A_64 : memref<1x256xi32, #tpu.memory_space<hbm>> -> memref<256xi32, #tpu.memory_space<hbm>>
      %dma_wait3A_66 = tpu.memref_slice %arg2[%select_n3A, %mul3A_34] : memref<4x2048xi32, #tpu.memory_space<hbm>> -> memref<1x256xi32, #tpu.memory_space<hbm>>
      %dma_wait3A_67 = tpu.memref_squeeze %dma_wait3A_66 : memref<1x256xi32, #tpu.memory_space<hbm>> -> memref<256xi32, #tpu.memory_space<hbm>>
      tpu.wait_dma2 semaphore(%run_scoped3A : memref<!tpu.dma_semaphore, #tpu.memory_space<semaphore_mem>>) src(%dma_wait3A_67 : memref<256xi32, #tpu.memory_space<hbm>>) dst(%arg5 : memref<256xi32, #tpu.memory_space<vmem>>)
      tpu.yield
    }) : () -> ()
    %dma_start3A = arith.constant 0 : i32
    %dma_start3A_35 = tpu.memref_slice %arg5[%dma_start3A] : memref<256xi32, #tpu.memory_space<vmem>> -> memref<128xi32, #tpu.memory_space<vmem>>
    %dma_start3A_36 = arith.constant 0 : i32
    %dma_start3A_37 = arith.constant 0 : i32
    %dma_start3A_38 = tpu.memref_slice %arg3[%dma_start3A_36, %dma_start3A_37] : memref<50257x768xf32, #tpu.memory_space<hbm>> -> memref<50257x768xf32, #tpu.memory_space<hbm>>
    tpu.enqueue_indirect_dma source(%dma_start3A_38 : memref<50257x768xf32, #tpu.memory_space<hbm>>) target(%arg6 : memref<128x768xf32, #tpu.memory_space<vmem>>) offsets(%dma_start3A_35 : memref<128xi32, #tpu.memory_space<vmem>>) semaphore(%arg7 : memref<!tpu.dma_semaphore, #tpu.memory_space<semaphore_mem>>)
    %dma_wait3A = arith.constant 0 : i32
    %dma_wait3A_39 = tpu.memref_slice %arg5[%dma_wait3A] : memref<256xi32, #tpu.memory_space<vmem>> -> memref<128xi32, #tpu.memory_space<vmem>>
    %dma_wait3A_40 = arith.constant 0 : i32
    %dma_wait3A_41 = arith.constant 0 : i32
    %dma_wait3A_42 = tpu.memref_slice %arg3[%dma_wait3A_40, %dma_wait3A_41] : memref<50257x768xf32, #tpu.memory_space<hbm>> -> memref<50257x768xf32, #tpu.memory_space<hbm>>
    tpu.wait_indirect_dma semaphore(%arg7 : memref<!tpu.dma_semaphore, #tpu.memory_space<semaphore_mem>>) src(%dma_wait3A_42 : memref<50257x768xf32, #tpu.memory_space<hbm>>) dst(%arg6 : memref<128x768xf32, #tpu.memory_space<vmem>>)
    %barrier3A = arith.constant 0 : index
    tpu.barrier barrier_id(%barrier3A)
    %add3A_43 = arith.constant 0 : i32
    %add3A_44 = arith.addi %mul3A_2, %add3A_43 : i32
    "tpu.region"() ({
      %run_scoped3A = tpu.sem_alloc : memref<!tpu.dma_semaphore, #tpu.memory_space<semaphore_mem>>
      %dma_start3A_60 = arith.constant 0 : i32
      %dma_start3A_61 = tpu.memref_slice %arg4[%add3A_44, %dma_start3A_60] : memref<8192x768xf32, #tpu.memory_space<hbm>> -> memref<128x768xf32, #tpu.memory_space<hbm>>
      %dma_start3A_62 = arith.constant 0 : i32
      %dma_start3A_63 = tpu.memref_slice %arg4[%add3A_44, %dma_start3A_62] : memref<8192x768xf32, #tpu.memory_space<hbm>> -> memref<128x768xf32, #tpu.memory_space<hbm>>
      tpu.enqueue_dma source(%arg6 : memref<128x768xf32, #tpu.memory_space<vmem>>) target(%dma_start3A_63 : memref<128x768xf32, #tpu.memory_space<hbm>>) target_semaphore(%run_scoped3A : memref<!tpu.dma_semaphore, #tpu.memory_space<semaphore_mem>>)
      %dma_wait3A_64 = arith.constant 0 : i32
      %dma_wait3A_65 = tpu.memref_slice %arg4[%add3A_44, %dma_wait3A_64] : memref<8192x768xf32, #tpu.memory_space<hbm>> -> memref<128x768xf32, #tpu.memory_space<hbm>>
      %dma_wait3A_66 = arith.constant 0 : i32
      %dma_wait3A_67 = tpu.memref_slice %arg4[%add3A_44, %dma_wait3A_66] : memref<8192x768xf32, #tpu.memory_space<hbm>> -> memref<128x768xf32, #tpu.memory_space<hbm>>
      tpu.wait_dma2 semaphore(%run_scoped3A : memref<!tpu.dma_semaphore, #tpu.memory_space<semaphore_mem>>) src(%arg6 : memref<128x768xf32, #tpu.memory_space<vmem>>) dst(%dma_wait3A_67 : memref<128x768xf32, #tpu.memory_space<hbm>>)
      tpu.yield
    }) : () -> ()
    %barrier3A_45 = arith.constant 0 : index
    tpu.barrier barrier_id(%barrier3A_45)
    %dma_start3A_46 = arith.constant 128 : i32
    %dma_start3A_47 = tpu.memref_slice %arg5[%dma_start3A_46] : memref<256xi32, #tpu.memory_space<vmem>> -> memref<128xi32, #tpu.memory_space<vmem>>
    %dma_start3A_48 = arith.constant 0 : i32
    %dma_start3A_49 = arith.constant 0 : i32
    %dma_start3A_50 = tpu.memref_slice %arg3[%dma_start3A_48, %dma_start3A_49] : memref<50257x768xf32, #tpu.memory_space<hbm>> -> memref<50257x768xf32, #tpu.memory_space<hbm>>
    tpu.enqueue_indirect_dma source(%dma_start3A_50 : memref<50257x768xf32, #tpu.memory_space<hbm>>) target(%arg6 : memref<128x768xf32, #tpu.memory_space<vmem>>) offsets(%dma_start3A_47 : memref<128xi32, #tpu.memory_space<vmem>>) semaphore(%arg7 : memref<!tpu.dma_semaphore, #tpu.memory_space<semaphore_mem>>)
    %dma_wait3A_51 = arith.constant 128 : i32
    %dma_wait3A_52 = tpu.memref_slice %arg5[%dma_wait3A_51] : memref<256xi32, #tpu.memory_space<vmem>> -> memref<128xi32, #tpu.memory_space<vmem>>
    %dma_wait3A_53 = arith.constant 0 : i32
    %dma_wait3A_54 = arith.constant 0 : i32
    %dma_wait3A_55 = tpu.memref_slice %arg3[%dma_wait3A_53, %dma_wait3A_54] : memref<50257x768xf32, #tpu.memory_space<hbm>> -> memref<50257x768xf32, #tpu.memory_space<hbm>>
    tpu.wait_indirect_dma semaphore(%arg7 : memref<!tpu.dma_semaphore, #tpu.memory_space<semaphore_mem>>) src(%dma_wait3A_55 : memref<50257x768xf32, #tpu.memory_space<hbm>>) dst(%arg6 : memref<128x768xf32, #tpu.memory_space<vmem>>)
    %barrier3A_56 = arith.constant 0 : index
    tpu.barrier barrier_id(%barrier3A_56)
    %add3A_57 = arith.constant 128 : i32
    %add3A_58 = arith.addi %mul3A_2, %add3A_57 : i32
    "tpu.region"() ({
      %run_scoped3A = tpu.sem_alloc : memref<!tpu.dma_semaphore, #tpu.memory_space<semaphore_mem>>
      %dma_start3A_60 = arith.constant 0 : i32
      %dma_start3A_61 = tpu.memref_slice %arg4[%add3A_58, %dma_start3A_60] : memref<8192x768xf32, #tpu.memory_space<hbm>> -> memref<128x768xf32, #tpu.memory_space<hbm>>
      %dma_start3A_62 = arith.constant 0 : i32
      %dma_start3A_63 = tpu.memref_slice %arg4[%add3A_58, %dma_start3A_62] : memref<8192x768xf32, #tpu.memory_space<hbm>> -> memref<128x768xf32, #tpu.memory_space<hbm>>
      tpu.enqueue_dma source(%arg6 : memref<128x768xf32, #tpu.memory_space<vmem>>) target(%dma_start3A_63 : memref<128x768xf32, #tpu.memory_space<hbm>>) target_semaphore(%run_scoped3A : memref<!tpu.dma_semaphore, #tpu.memory_space<semaphore_mem>>)
      %dma_wait3A_64 = arith.constant 0 : i32
      %dma_wait3A_65 = tpu.memref_slice %arg4[%add3A_58, %dma_wait3A_64] : memref<8192x768xf32, #tpu.memory_space<hbm>> -> memref<128x768xf32, #tpu.memory_space<hbm>>
      %dma_wait3A_66 = arith.constant 0 : i32
      %dma_wait3A_67 = tpu.memref_slice %arg4[%add3A_58, %dma_wait3A_66] : memref<8192x768xf32, #tpu.memory_space<hbm>> -> memref<128x768xf32, #tpu.memory_space<hbm>>
      tpu.wait_dma2 semaphore(%run_scoped3A : memref<!tpu.dma_semaphore, #tpu.memory_space<semaphore_mem>>) src(%arg6 : memref<128x768xf32, #tpu.memory_space<vmem>>) dst(%dma_wait3A_67 : memref<128x768xf32, #tpu.memory_space<hbm>>)
      tpu.yield
    }) : () -> ()
    %barrier3A_59 = arith.constant 0 : index
    tpu.barrier barrier_id(%barrier3A_59)
    return
  }
}

</mosaic_0001>

<sc_bundles>
// kernel: _sc_gather.3.cloned.1.call-start
scs
__scs_entry_jumppad:
0x0: {  	(pc) =	sbr.rel $0x88, $3  }
0x1: {  	(tag) =	ssettag $0x0;
	lr =	simm.s32 $0x1  }
0x2: {  	[smem:$0x3F9F] =	sst lr;
	_ =	strace $0xD0000000  }
0x3: {  	_ = 	snop  }
0x4: {  	_ = 	snop  }
0x5: {  	_ = 	snop  }
0x6: {  	_ = 	snop  }
0x7: {  	_ = 	snop  }
__scs_overlays_trampoline_lowered:
0x8: {  	[smem:$0x3FAE] =	sst s0  }
0x9: {  	[smem:$0x3FAF] =	sst s1  }
0xa: {  	[smem:$0x3FB0] =	sst s2  }
0xb: {  	[smem:$0x3FB1] =	sst s3  }
0xc: {  	[smem:$0x3FB2] =	sst s4  }
0xd: {  	[smem:$0x3FB3] =	sst s5  }
0xe: {  	[smem:$0x3FB4] =	sst s6  }
0xf: {  	[smem:$0x3FB5] =	sst s7  }
0x10: {  	[smem:$0x3FB6] =	sst s8  }
0x11: {  	[smem:$0x3FB7] =	sst s9;
	s0 =	simm.s32 @!p0 $0x0  }
0x12: {  	s1 =	sld [smem:$0x3F9D];
	s0 =	simm.s32 @p0 $0x1  }
0x13: {  	[smem:$0x3FB8] =	sst s0;
	s0 =	simm.s32 @!p1 $0x0  }
0x14: {  	s2 =	sld [smem:$0x3F9C];
	s0 =	simm.s32 @p1 $0x1  }
0x15: {  	[smem:$0x3FB9] =	sst s0;
	s0 =	simm.s32 @!p2 $0x0  }
0x16: {  	s3 =	sld [smem:$0x3FDB];
	s0 =	simm.s32 @p2 $0x1  }
0x17: {  	s4 =	simm.s32 $0x1BF5;
	[smem:$0x3FBB] =	sst s0  }
0x18: {  	s0 =	sld [smem:$0x3F9E];
	_ =	swait.ge [sflag:s4], $0x0  }
0x19: {  	s7 =	sld [smem:$0x3F9F]  }
0x1a: {  	s8 =	sadd.s32 $0xFFFFE003, lr  }
0x1b: {  	s9 =	sadd.s32 $0xFFFFFEF7, lr;
	s5 =	simm.s32 $0xFFFFFFFF;
	p2 =	slt.u32 s8, $0xFFFFF086  }
0x1c: {  	p1 =	slt.u32 s9, $0xF7A;
	s5 =	simm.s32 @!p2 $0x0  }
0x1d: {  	s5 =	simm.s32 @p1 $0x1;
	p0 =	seq.s32 s7, s2  }
0x1e: {  	s7 =	smul.u32 @!p0 $0xF7A, s2;
	p2 =	seq.s32 @!p0 s5, $0x0  }
0x1f: {  	s9 =	smul.u32 $0xF7A, s1;
	s8 =	simm.s32 @!p0 $0x1BF5;
	p2 =	por !p2, p0  }
0x20: {  	[sflag:s8] =	ssyncset.s32 @!p0 $0xFFFFF086;
	s6 =	sadd.s32 @!p0 s3, s7;
	s7 =	simm.s32 @!p0 $0x108  }
0x21: {  	s3 =	sadd.s32 s3, s9;
	s6 =	sadd.s32 @!p0 $0x88, s6;
	s7 =	simm.s32 @p2 $0x1082  }
0x22: {  	[simem:s7], [sflag:s8] =	dma.local @!p0 [hbm:s6], $0xF7A  }
0x23: {  	s9 =	sor.u32 $0xD0000000, s2;
	s6 =	simm.s32 $0x108;
	_ =	swait.ge @!p0 [sflag:s8], $0x0  }
0x24: {  	s3 =	sadd.s32 $0x88, s3;
	s6 =	simm.s32 @!p1 $0x1082;
	[sflag:s4] =	ssyncset.s32 $0xFFFFF086  }
0x25: {  	[simem:s6], [sflag:s4] =	dma.local [hbm:s3], $0xF7A  }
0x26: {  	[smem:$0x3F9F] =	sst s1;
	(tag) =	ssettag s2;
	_ =	strace s9  }
0x27: {  	s1 =	sld [smem:$0x3FAF]  }
0x28: {  	s2 =	sld [smem:$0x3FB0]  }
0x29: {  	s4 =	sld [smem:$0x3FB2]  }
0x2a: {  	p0 =	seq.s32 s5, $0x0;
	s5 =	sld [smem:$0x3FB3]  }
0x2b: {  	s6 =	sld [smem:$0x3FB4]  }
0x2c: {  	s7 =	sld [smem:$0x3FB5]  }
0x2d: {  	s3 =	simm.s32 $0x108;
	s8 =	sld [smem:$0x3FB6]  }
0x2e: {  	s3 =	simm.s32 @!p0 $0x1082;
	s9 =	sld [smem:$0x3FB7]  }
0x2f: {  	lr =	sadd.s32 s0, s3;
	s0 =	sld [smem:$0x3FAE]  }
0x30: {  	s3 =	sld [smem:$0x3FB1]  }
0x31: {  	[smem:$0x3FBA] =	sst s10  }
0x32: {  	s10 =	sld [smem:$0x3FB8];
	_ =	sdelay $0x3  }
0x33: {  	p0 =	seq.s32 s10, $0x1;
	s10 =	sld [smem:$0x3FBA];
	_ =	sdelay $0x3  }
0x34: {  	[smem:$0x3FBA] =	sst s10  }
0x35: {  	s10 =	sld [smem:$0x3FB9];
	_ =	sdelay $0x3  }
0x36: {  	p1 =	seq.s32 s10, $0x1;
	s10 =	sld [smem:$0x3FBA];
	_ =	sdelay $0x3  }
0x37: {  	[smem:$0x3FBA] =	sst s10  }
0x38: {  	s10 =	sld [smem:$0x3FBB]  }
0x39: {  	_ = 	snop;
	(pc) =	sbr.ind lr, $3  }
0x3a: {  	_ = 	snop  }
0x3b: {  	_ = 	snop  }
0x3c: {  	p2 =	seq.s32 s10, $0x1;
	s10 =	sld [smem:$0x3FBA]  }
0x3d: {  	_ =	shalt  }
0x3e: {  	_ =	shalt  }
0x3f: {  	_ =	shalt  }
0x40: {  	_ =	shalt  }
0x41: {  	_ =	shalt  }
0x42: {  	_ =	shalt  }
0x43: {  	_ =	shalt  }
0x44: {  	_ =	shalt  }
0x45: {  	_ =	shalt  }
0x46: {  	_ =	shalt  }
0x47: {  	_ =	shalt  }
0x48: {  	_ =	shalt  }
0x49: {  	_ =	shalt  }
0x4a: {  	_ =	shalt  }
0x4b: {  	_ =	shalt  }
0x4c: {  	_ =	shalt  }
0x4d: {  	_ =	shalt  }
0x4e: {  	_ =	shalt  }
0x4f: {  	_ =	shalt  }
0x50: {  	_ =	shalt  }
0x51: {  	_ =	shalt  }
0x52: {  	_ =	shalt  }
0x53: {  	_ =	shalt  }
0x54: {  	_ =	shalt  }
0x55: {  	_ =	shalt  }
0x56: {  	_ =	shalt  }
0x57: {  	_ =	shalt  }
0x58: {  	_ =	shalt  }
0x59: {  	_ =	shalt  }
0x5a: {  	_ =	shalt  }
0x5b: {  	_ =	shalt  }
0x5c: {  	_ =	shalt  }
0x5d: {  	_ =	shalt  }
0x5e: {  	_ =	shalt  }
0x5f: {  	_ =	shalt  }
0x60: {  	_ =	shalt  }
0x61: {  	_ =	shalt  }
0x62: {  	_ =	shalt  }
0x63: {  	_ =	shalt  }
0x64: {  	_ =	shalt  }
0x65: {  	_ =	shalt  }
0x66: {  	_ =	shalt  }
0x67: {  	_ =	shalt  }
0x68: {  	_ =	shalt  }
0x69: {  	_ =	shalt  }
0x6a: {  	_ =	shalt  }
0x6b: {  	_ =	shalt  }
0x6c: {  	_ =	shalt  }
0x6d: {  	_ =	shalt  }
0x6e: {  	_ =	shalt  }
0x6f: {  	_ =	shalt  }
0x70: {  	_ =	shalt  }
0x71: {  	_ =	shalt  }
0x72: {  	_ =	shalt  }
0x73: {  	_ =	shalt  }
0x74: {  	_ =	shalt  }
0x75: {  	_ =	shalt  }
0x76: {  	_ =	shalt  }
0x77: {  	_ =	shalt  }
0x78: {  	_ =	shalt  }
0x79: {  	_ =	shalt  }
0x7a: {  	_ =	shalt  }
0x7b: {  	_ =	shalt  }
0x7c: {  	_ =	shalt  }
0x7d: {  	_ =	shalt  }
0x7e: {  	_ =	shalt  }
0x7f: {  	_ =	shalt  }
0x80: {  	_ =	shalt  }
0x81: {  	_ =	shalt  }
0x82: {  	_ =	shalt  }
0x83: {  	_ =	shalt  }
0x84: {  	_ =	shalt  }
0x85: {  	_ =	shalt  }
0x86: {  	_ =	shalt  }
0x87: {  	_ =	shalt  }
.Lfunc_end0:
.L_simem_size_0:
called_computation_lowered:
.L_overlay_start_0:
0x88: {  	s2 =	sld [smem:$0x3FD9]  }
0x89: {  	s3 =	sld [smem:$0x3FFE];
	_ =	sdelay $0x1  }
0x8a: {  	s1 =	srdreg.scid  }
0x8b: {  	s0 =	sand.u32 $0x1, s1  }
0x8c: {  	s18 =	sshll.u32 s0, $0xA;
	s2 =	sadd.s32 s3, s2  }
0x8d: {  	s2 =	sadd.s32 s2, s18  }
0x8e: {  	[smem:$0x3FC6] =	sst s2  }
0x8f: {  	_ = 	snop  }
0x90: {  	s2 =	sld [smem:$0x3FC9]  }
0x91: {  	s19 =	sld [smem:$0x3FC8]  }
0x92: {  	s4 =	sld [smem:$0x3FD0];
	(tm) =	ssettm $0x1  }
0x93: {  	s5 =	sld [smem:$0x3FFB];
	_ =	sdelay $0x3  }
0x94: {  	_ =	strace s5  }
0x95: {  	s5 =	sld [smem:$0x3FFC];
	_ =	sdelay $0x3  }
0x96: {  	_ =	strace s5  }
0x97: {  	s5 =	sld [smem:$0x3FFD];
	_ =	sdelay $0x3  }
0x98: {  	_ =	strace s5  }
0x99: {  	_ =	strace $0x8FFFFFFF  }
0x9a: {  	s20 =	sld [smem:$0x3FDB];
	_ =	sdelay $0x1  }
0x9b: {  	s6 =	simm.s32 $_scs_section_size  }
0x9c: {  	s7 =	simm.s32 $_size__tile_overlayer_lowered;
	s8 =	simm.s32 $_tile_overlayer_lowered  }
0x9d: {  	s23 =	simm.s32 $0x1BFF;
	s22 =	sshll.u32 s8, $0x1;
	s5 =	sadd.s32 s6, s20  }
0x9e: {  	s9 =	simm.s32 $0x0;
	s21 =	sshll.u32 s7, $0x1;
	s7 =	sadd.s32 s22, s5  }
0x9f: {  	[timem:s9], [sflag:s23] =	dma.local [hbm:s7], s21  }
0xa0: {  	_ =	swait.ge [sflag:s23], s21  }
0xa1: {  	s6 =	ssub.s32 $0x0, s21;
	[sflag:s23] =	ssyncset.done $0x0  }
0xa2: {  	[sflag:s23] =	ssyncadd.s32 s6;
	_ =	sdelay $0x1  }
0xa3: {  	s24 =	simm.s32 $0x1B8B  }
0xa4: {  	_ =	swait.ge [sflag:s24], $0x1  }
0xa5: {  	[sflag:s24] =	ssyncset.done $0x0  }
0xa6: {  	s25 =	simm.s32 $0x1B8E;
	[sflag:s24] =	ssyncadd.s32 $0xFFFFFFFF  }
0xa7: {  	s26 =	simm.s32 $execute0_lowered;
	[smem:$0x3FD2] =	sst s25  }
0xa8: {  	s6 =	sshll.u32 s26, $0x1;
	_ =	strace $0x80000046;
	[dreg:$0x1] =	wrdreg $0xFFFFFFFF  }
0xa9: {  	s28 =	simm.s32 $_size_execute0_lowered;
	s5 =	sadd.s32 s5, s6;
	[dreg:$0x0] =	wrdreg $0x0  }
0xaa: {  	s6 =	sshll.u32 s28, $0x1;
	[dreg:$0x2] =	wrdreg s5  }
0xab: {  	[dreg:$0x3] =	wrdreg s6  }
0xac: {  	[dreg:$0x4] =	wrdreg $0xC0  }
0xad: {  	_ =	task [dreg:s9], $0x5FFFF  }
0xae: {  	[dreg:$0x1] =	wrdreg $0xFFFFFFFF  }
0xaf: {  	[dreg:$0x0] =	wrdreg $0x60  }
0xb0: {  	[dreg:$0x2] =	wrdreg s2  }
0xb1: {  	[dreg:$0x3] =	wrdreg s19  }
0xb2: {  	[dreg:$0x4] =	wrdreg s4  }
0xb3: {  	[dreg:$0x5] =	wrdreg $0x9  }
0xb4: {  	_ =	task.clear_ibuf [dreg:s9], $0x6FFFF;
	_ =	strace $0x90000046  }
0xb5: {  	s29 =	simm.s32 $0x9;
	_ =	strace $0x80000048  }
0xb6: {  	_ =	swait.ge [sflag:s29], $0x1  }
0xb7: {  	[sflag:s29] =	ssyncadd.s32 $0xFFFFFFFF  }
0xb8: {  	_ =	strace $0x90000048  }
0xb9: {  	_ =	sfence  }
0xba: {  	s30 =	sld [smem:$0x0];
	_ =	sdelay $0x2  }
0xbb: {  	s31 =	sshll.u32 s1, $0xD;
	s1 =	sshrl.u32 s1, $0x2  }
0xbc: {  	s3 =	sand.u32 $0x4000, s31;
	s1 =	sadd.s32 s1, s30  }
0xbd: {  	s0 =	sor.u32 s3, s0;
	s1 =	sshll.u32 s1, $0x11  }
0xbe: {  	s0 =	sor.u32 s1, s0  }
0xbf: {  	s0 =	sadd.s32 $0x8F2B, s0  }
0xc0: {  	[sflag:s0] =	ssyncadd.remote.s32 $0x1  }
0xc1: {  	_ =	sfence.sel $0xFFFF  }
0xc2: {  	[dreg:$0x0] =	wrdreg $0xFFFFFFFF;
	(pc) =	sbr.abs _section_cstart, $3  }
0xc3: {  	[dreg:$0x1] =	wrdreg $0xFFFFFFFF  }
0xc4: {  	_ =	task.clear_ibuf [dreg:s9], $0x2FFFF;
	_ =	strace $0x9FFFFFFF  }
0xc5: {  	(tm) =	ssettm $0x7FFFFFFF  }
tec
execute0_lowered:
.L_overlay_start_1:
0x0: {  	(tag) =	ssettag $0x1  }
0x1: {  	s0 =	rddreg [dreg:$0x0]  }
0x2: {  	s1 =	rddreg [dreg:$0x1]  }
0x3: {  	s2 =	rddreg [dreg:$0x2];
	s3 =	simm.s32 $0x0  }
0x4: {  	s4 =	srdreg.scid;
	s8 =	stileid.u32;
	s25 =	simm.s32 $0x80  }
0x5: {  	s26 =	simm.s32 $0x200;
	s12 =	simm.s32 $0x1900;
	s13 =	simm.s32 $0x2100  }
0x6: {  	s14 =	simm.s32 $0x2900;
	s15 =	simm.s32 $0x3100;
	s16 =	simm.s32 $0x3900  }
0x7: {  	s17 =	simm.s32 $0x4100;
	s18 =	simm.s32 $0x4900;
	s28 =	simm.s32 $0x9100  }
0x8: {  	s29 =	simm.s32 $0x9900;
	s30 =	simm.s32 $0xA100;
	s31 =	simm.s32 $0xA900  }
0x9: {  	[smem:$0x7FF] =	sst s3;
	s4 =	sand.u32 $0x1, s4;
	s6 =	sshll.u32 s8, $0x1  }
0xa: {  	s19 =	sshll.u32 s8, $0x2;
	_ =	strace $0x80000047;
	s5 =	ssub.s32 $0x2, s4  }
0xb: {  	s4 =	sor.u32 s4, s6;
	s6 =	sand.u32 $0x30, s19;
	[dreg:$0x7] =	wrdreg s25  }
0xc: {  	[dreg:$0x8] =	wrdreg s26;
	s19 =	simm.s32 $0x5100;
	s25 =	simm.s32 $0x8100  }
0xd: {  	s26 =	simm.s32 $0x8900;
	s7 =	sshrl.u32 s5, $0x1;
	s9 =	smul.u32 $0x30000, s4  }
0xe: {  	s20 =	sshll.u32 s4, $0x7;
	s0 =	sadd.s32 s0, s6;
	s4 =	smul.u32 $0x6000, s4  }
0xf: {  	s8 =	sand.u32 $0x380, s20;
	s21 =	ssub.s32 s5, s7;
	s5 =	sadd.s32 $0x200, s1  }
0x10: {  	s7 =	simm.s32 $0x2;
	s20 =	simm.s32 $0x5900;
	s0 =	sadd.s32 s8, s0  }
0x11: {  	s22 =	sshrl.u32 s9, $0x3;
	s23 =	sadd.s32 s2, s4;
	s4 =	sadd.s32 $0x100, s1  }
0x12: {  	s6 =	smax.u32 s21, $0x1;
	s21 =	simm.s32 $0x6100;
	[dreg:$0x4] =	wrdreg s0  }
0x13: {  	v2 =	vlaneseq.u32;
	s8 =	simm.s32 $0xB900;
	s2 =	sadd.s32 s2, s22;
	[dreg:$0x5] =	wrdreg s23  }
0x14: {  	vm0 =	vmmov $0xffff;
	v1 =	vshrl.u32 v2, $0x3;
	s22 =	simm.s32 $0x6900;
	s23 =	simm.s32 $0x7100;
	s24 =	sadd.s32 $0x3000, s2  }
0x15: {  	v0 =	vand.u32 $0x7, v2;
	v2 =	vor.u32 $0x8, v2;
	v1 =	vmul.u32 $0x8, v1;
	s2 =	simm.s32 $0x1;
	[dreg:$0x6] =	wrdreg s24;
	s24 =	simm.s32 $0x7900  }
.LBB2_1:
0x16: {  	s9 =	rddreg [dreg:$0x4]  }
0x17: {  	s10 =	rddreg [dreg:$0x7]  }
0x18: {  	s11 =	rddreg [dreg:$0x8]  }
0x19: {  	[tilespmem:s3], [sflag:$0x2] =	stream.strided.gather [hbm4b:s9+s10], $0x100, s11, s10, $0x38;
	[tilespmem:$0x18100] =	vst v63  }
0x1a: {  	_ =	swait.ge [sflag:s7], $0x100  }
0x1b: {  	[sflag:s7] =	ssyncset.done $0x0  }
0x1c: {  	[sflag:s7] =	ssyncadd.s32 $0xFFFFFF00  }
0x1d: {  	v3 =	vld [tilespmem:$0x0];
	_ =	sdelay $0x4  }
0x1e: {  	v4 =	vshrl.u32 v3, $0x3  }
0x1f: {  	v4 =	vmul.u32 $0x30, v4  }
0x20: {  	v3 =	vand.u32 $0x7, v3  }
0x21: {  	v3 =	vor.u32 v3, v4  }
0x22: {  	v4 =	vperm.xlane v3, v0;
	_ =	sdelay $0x1  }
0x23: {  	v4 =	vadd.s32 v1, v4;
	_ =	sdelay $0x3  }
0x24: {  	s0 =	simm.s32 $0x100;
	v3 =	vperm.xlane v3, v2  }
0x25: {  	[tilespmem:s0], [sflag:$0x1] =	stream.indirect_vreg.gather [hbm4b:s1+s3], $0x80, v4, vm0, $0xb8;
	[tilespmem:$0x18100] =	vst v63  }
0x26: {  	s10 =	simm.s32 $0x900;
	v3 =	vadd.s32 v1, v3  }
0x27: {  	[tilespmem:s10], [sflag:$0x1] =	stream.indirect_vreg.gather [hbm4b:s4+s3], $0x80, v4, vm0, $0xb8;
	[tilespmem:$0x18100] =	vst v63  }
0x28: {  	s11 =	simm.s32 $0x1100  }
0x29: {  	[tilespmem:s11], [sflag:$0x1] =	stream.indirect_vreg.gather [hbm4b:s5+s3], $0x80, v4, vm0, $0xb8;
	[tilespmem:$0x18100] =	vst v63  }
0x2a: {  	_ = 	snop  }
0x2b: {  	[tilespmem:s12], [sflag:$0x1] =	stream.indirect_vreg.gather [hbm4b:s1+s3], $0x80, v3, vm0, $0xb8;
	[tilespmem:$0x18100] =	vst v63  }
0x2c: {  	_ = 	snop  }
0x2d: {  	[tilespmem:s13], [sflag:$0x1] =	stream.indirect_vreg.gather [hbm4b:s4+s3], $0x80, v3, vm0, $0xb8;
	[tilespmem:$0x18100] =	vst v63  }
0x2e: {  	_ = 	snop  }
0x2f: {  	[tilespmem:s14], [sflag:$0x1] =	stream.indirect_vreg.gather [hbm4b:s5+s3], $0x80, v3, vm0, $0xb8;
	[tilespmem:$0x18100] =	vst v63  }
0x30: {  	v3 =	vld [tilespmem:$0x10];
	_ =	sdelay $0x4  }
0x31: {  	v49 =	vshrl.u32 v3, $0x3  }
0x32: {  	v4 =	vmul.u32 $0x30, v49  }
0x33: {  	v3 =	vand.u32 $0x7, v3  }
0x34: {  	v3 =	vor.u32 v3, v4  }
0x35: {  	v4 =	vperm.xlane v3, v0;
	_ =	sdelay $0x1  }
0x36: {  	v4 =	vadd.s32 v1, v4;
	_ =	sdelay $0x3  }
0x37: {  	v3 =	vperm.xlane v3, v2  }
0x38: {  	[tilespmem:s15], [sflag:$0x1] =	stream.indirect_vreg.gather [hbm4b:s1+s3], $0x80, v4, vm0, $0xb8;
	[tilespmem:$0x18100] =	vst v63  }
0x39: {  	v3 =	vadd.s32 v1, v3  }
0x3a: {  	[tilespmem:s16], [sflag:$0x1] =	stream.indirect_vreg.gather [hbm4b:s4+s3], $0x80, v4, vm0, $0xb8;
	[tilespmem:$0x18100] =	vst v63  }
0x3b: {  	_ = 	snop  }
0x3c: {  	[tilespmem:s17], [sflag:$0x1] =	stream.indirect_vreg.gather [hbm4b:s5+s3], $0x80, v4, vm0, $0xb8;
	[tilespmem:$0x18100] =	vst v63  }
0x3d: {  	_ = 	snop  }
0x3e: {  	[tilespmem:s18], [sflag:$0x1] =	stream.indirect_vreg.gather [hbm4b:s1+s3], $0x80, v3, vm0, $0xb8;
	[tilespmem:$0x18100] =	vst v63  }
0x3f: {  	_ = 	snop  }
0x40: {  	[tilespmem:s19], [sflag:$0x1] =	stream.indirect_vreg.gather [hbm4b:s4+s3], $0x80, v3, vm0, $0xb8;
	[tilespmem:$0x18100] =	vst v63  }
0x41: {  	_ = 	snop  }
0x42: {  	[tilespmem:s20], [sflag:$0x1] =	stream.indirect_vreg.gather [hbm4b:s5+s3], $0x80, v3, vm0, $0xb8;
	[tilespmem:$0x18100] =	vst v63  }
0x43: {  	v3 =	vld [tilespmem:$0x20];
	_ =	sdelay $0x4  }
0x44: {  	v50 =	vshrl.u32 v3, $0x3  }
0x45: {  	v4 =	vmul.u32 $0x30, v50  }
0x46: {  	v3 =	vand.u32 $0x7, v3  }
0x47: {  	v3 =	vor.u32 v3, v4  }
0x48: {  	v4 =	vperm.xlane v3, v0;
	_ =	sdelay $0x1  }
0x49: {  	v4 =	vadd.s32 v1, v4;
	_ =	sdelay $0x3  }
0x4a: {  	v3 =	vperm.xlane v3, v2  }
0x4b: {  	[tilespmem:s21], [sflag:$0x1] =	stream.indirect_vreg.gather [hbm4b:s1+s3], $0x80, v4, vm0, $0xb8;
	[tilespmem:$0x18100] =	vst v63  }
0x4c: {  	v3 =	vadd.s32 v1, v3  }
0x4d: {  	[tilespmem:s22], [sflag:$0x1] =	stream.indirect_vreg.gather [hbm4b:s4+s3], $0x80, v4, vm0, $0xb8;
	[tilespmem:$0x18100] =	vst v63  }
0x4e: {  	_ = 	snop  }
0x4f: {  	[tilespmem:s23], [sflag:$0x1] =	stream.indirect_vreg.gather [hbm4b:s5+s3], $0x80, v4, vm0, $0xb8;
	[tilespmem:$0x18100] =	vst v63  }
0x50: {  	_ = 	snop  }
0x51: {  	[tilespmem:s24], [sflag:$0x1] =	stream.indirect_vreg.gather [hbm4b:s1+s3], $0x80, v3, vm0, $0xb8;
	[tilespmem:$0x18100] =	vst v63  }
0x52: {  	_ = 	snop  }
0x53: {  	[tilespmem:s25], [sflag:$0x1] =	stream.indirect_vreg.gather [hbm4b:s4+s3], $0x80, v3, vm0, $0xb8;
	[tilespmem:$0x18100] =	vst v63  }
0x54: {  	_ = 	snop  }
0x55: {  	[tilespmem:s26], [sflag:$0x1] =	stream.indirect_vreg.gather [hbm4b:s5+s3], $0x80, v3, vm0, $0xb8;
	[tilespmem:$0x18100] =	vst v63  }
0x56: {  	v3 =	vld [tilespmem:$0x30];
	_ =	sdelay $0x4  }
0x57: {  	v51 =	vshrl.u32 v3, $0x3  }
0x58: {  	v4 =	vmul.u32 $0x30, v51  }
0x59: {  	v3 =	vand.u32 $0x7, v3  }
0x5a: {  	v3 =	vor.u32 v3, v4  }
0x5b: {  	v4 =	vperm.xlane v3, v0;
	_ =	sdelay $0x1  }
0x5c: {  	v4 =	vadd.s32 v1, v4;
	_ =	sdelay $0x3  }
0x5d: {  	v3 =	vperm.xlane v3, v2  }
0x5e: {  	[tilespmem:s28], [sflag:$0x1] =	stream.indirect_vreg.gather [hbm4b:s1+s3], $0x80, v4, vm0, $0xb8;
	[tilespmem:$0x18100] =	vst v63  }
0x5f: {  	v3 =	vadd.s32 v1, v3  }
0x60: {  	[tilespmem:s29], [sflag:$0x1] =	stream.indirect_vreg.gather [hbm4b:s4+s3], $0x80, v4, vm0, $0xb8;
	[tilespmem:$0x18100] =	vst v63  }
0x61: {  	_ = 	snop  }
0x62: {  	[tilespmem:s30], [sflag:$0x1] =	stream.indirect_vreg.gather [hbm4b:s5+s3], $0x80, v4, vm0, $0xb8;
	[tilespmem:$0x18100] =	vst v63  }
0x63: {  	_ = 	snop  }
0x64: {  	[tilespmem:s31], [sflag:$0x1] =	stream.indirect_vreg.gather [hbm4b:s1+s3], $0x80, v3, vm0, $0xb8;
	[tilespmem:$0x18100] =	vst v63  }
0x65: {  	s9 =	simm.s32 $0xB100  }
0x66: {  	[tilespmem:s9], [sflag:$0x1] =	stream.indirect_vreg.gather [hbm4b:s4+s3], $0x80, v3, vm0, $0xb8;
	[tilespmem:$0x18100] =	vst v63  }
0x67: {  	_ = 	snop  }
0x68: {  	[tilespmem:s8], [sflag:$0x1] =	stream.indirect_vreg.gather [hbm4b:s5+s3], $0x80, v3, vm0, $0xb8;
	[tilespmem:$0x18100] =	vst v63  }
0x69: {  	v3 =	vld [tilespmem:$0x40];
	_ =	sdelay $0x4  }
0x6a: {  	v52 =	vshrl.u32 v3, $0x3  }
0x6b: {  	v4 =	vmul.u32 $0x30, v52  }
0x6c: {  	v3 =	vand.u32 $0x7, v3  }
0x6d: {  	v3 =	vor.u32 v3, v4  }
0x6e: {  	v4 =	vperm.xlane v3, v0;
	_ =	sdelay $0x1  }
0x6f: {  	v4 =	vadd.s32 v1, v4;
	_ =	sdelay $0x3  }
0x70: {  	s9 =	simm.s32 $0xC100;
	v3 =	vperm.xlane v3, v2  }
0x71: {  	[tilespmem:s9], [sflag:$0x1] =	stream.indirect_vreg.gather [hbm4b:s1+s3], $0x80, v4, vm0, $0xb8;
	[tilespmem:$0x18100] =	vst v63  }
0x72: {  	v3 =	vadd.s32 v1, v3;
	s9 =	simm.s32 $0xC900  }
0x73: {  	[tilespmem:s9], [sflag:$0x1] =	stream.indirect_vreg.gather [hbm4b:s4+s3], $0x80, v4, vm0, $0xb8;
	[tilespmem:$0x18100] =	vst v63  }
0x74: {  	s9 =	simm.s32 $0xD100  }
0x75: {  	[tilespmem:s9], [sflag:$0x1] =	stream.indirect_vreg.gather [hbm4b:s5+s3], $0x80, v4, vm0, $0xb8;
	[tilespmem:$0x18100] =	vst v63  }
0x76: {  	s9 =	simm.s32 $0xD900  }
0x77: {  	[tilespmem:s9], [sflag:$0x1] =	stream.indirect_vreg.gather [hbm4b:s1+s3], $0x80, v3, vm0, $0xb8;
	[tilespmem:$0x18100] =	vst v63  }
0x78: {  	s9 =	simm.s32 $0xE100  }
0x79: {  	[tilespmem:s9], [sflag:$0x1] =	stream.indirect_vreg.gather [hbm4b:s4+s3], $0x80, v3, vm0, $0xb8;
	[tilespmem:$0x18100] =	vst v63  }
0x7a: {  	s9 =	simm.s32 $0xE900  }
0x7b: {  	[tilespmem:s9], [sflag:$0x1] =	stream.indirect_vreg.gather [hbm4b:s5+s3], $0x80, v3, vm0, $0xb8;
	[tilespmem:$0x18100] =	vst v63  }
0x7c: {  	v3 =	vld [tilespmem:$0x50];
	_ =	sdelay $0x4  }
0x7d: {  	v53 =	vshrl.u32 v3, $0x3  }
0x7e: {  	v4 =	vmul.u32 $0x30, v53  }
0x7f: {  	v3 =	vand.u32 $0x7, v3  }
0x80: {  	v3 =	vor.u32 v3, v4  }
0x81: {  	v4 =	vperm.xlane v3, v0;
	_ =	sdelay $0x1  }
0x82: {  	v4 =	vadd.s32 v1, v4;
	_ =	sdelay $0x3  }
0x83: {  	s9 =	simm.s32 $0xF100;
	v3 =	vperm.xlane v3, v2  }
0x84: {  	[tilespmem:s9], [sflag:$0x1] =	stream.indirect_vreg.gather [hbm4b:s1+s3], $0x80, v4, vm0, $0xb8;
	[tilespmem:$0x18100] =	vst v63  }
0x85: {  	v3 =	vadd.s32 v1, v3;
	s9 =	simm.s32 $0xF900  }
0x86: {  	[tilespmem:s9], [sflag:$0x1] =	stream.indirect_vreg.gather [hbm4b:s4+s3], $0x80, v4, vm0, $0xb8;
	[tilespmem:$0x18100] =	vst v63  }
0x87: {  	s9 =	simm.s32 $0x10100  }
0x88: {  	[tilespmem:s9], [sflag:$0x1] =	stream.indirect_vreg.gather [hbm4b:s5+s3], $0x80, v4, vm0, $0xb8;
	[tilespmem:$0x18100] =	vst v63  }
0x89: {  	s9 =	simm.s32 $0x10900  }
0x8a: {  	[tilespmem:s9], [sflag:$0x1] =	stream.indirect_vreg.gather [hbm4b:s1+s3], $0x80, v3, vm0, $0xb8;
	[tilespmem:$0x18100] =	vst v63  }
0x8b: {  	s9 =	simm.s32 $0x11100  }
0x8c: {  	[tilespmem:s9], [sflag:$0x1] =	stream.indirect_vreg.gather [hbm4b:s4+s3], $0x80, v3, vm0, $0xb8;
	[tilespmem:$0x18100] =	vst v63  }
0x8d: {  	s9 =	simm.s32 $0x11900  }
0x8e: {  	[tilespmem:s9], [sflag:$0x1] =	stream.indirect_vreg.gather [hbm4b:s5+s3], $0x80, v3, vm0, $0xb8;
	[tilespmem:$0x18100] =	vst v63  }
0x8f: {  	v3 =	vld [tilespmem:$0x60];
	_ =	sdelay $0x4  }
0x90: {  	v54 =	vshrl.u32 v3, $0x3  }
0x91: {  	v4 =	vmul.u32 $0x30, v54  }
0x92: {  	v3 =	vand.u32 $0x7, v3  }
0x93: {  	v3 =	vor.u32 v3, v4  }
0x94: {  	v4 =	vperm.xlane v3, v0;
	_ =	sdelay $0x1  }
0x95: {  	v4 =	vadd.s32 v1, v4;
	_ =	sdelay $0x3  }
0x96: {  	s9 =	simm.s32 $0x12100;
	v3 =	vperm.xlane v3, v2  }
0x97: {  	[tilespmem:s9], [sflag:$0x1] =	stream.indirect_vreg.gather [hbm4b:s1+s3], $0x80, v4, vm0, $0xb8;
	[tilespmem:$0x18100] =	vst v63  }
0x98: {  	v3 =	vadd.s32 v1, v3;
	s9 =	simm.s32 $0x12900  }
0x99: {  	[tilespmem:s9], [sflag:$0x1] =	stream.indirect_vreg.gather [hbm4b:s4+s3], $0x80, v4, vm0, $0xb8;
	[tilespmem:$0x18100] =	vst v63  }
0x9a: {  	s9 =	simm.s32 $0x13100  }
0x9b: {  	[tilespmem:s9], [sflag:$0x1] =	stream.indirect_vreg.gather [hbm4b:s5+s3], $0x80, v4, vm0, $0xb8;
	[tilespmem:$0x18100] =	vst v63  }
0x9c: {  	s9 =	simm.s32 $0x13900  }
0x9d: {  	[tilespmem:s9], [sflag:$0x1] =	stream.indirect_vreg.gather [hbm4b:s1+s3], $0x80, v3, vm0, $0xb8;
	[tilespmem:$0x18100] =	vst v63  }
0x9e: {  	s9 =	simm.s32 $0x14100  }
0x9f: {  	[tilespmem:s9], [sflag:$0x1] =	stream.indirect_vreg.gather [hbm4b:s4+s3], $0x80, v3, vm0, $0xb8;
	[tilespmem:$0x18100] =	vst v63  }
0xa0: {  	s9 =	simm.s32 $0x14900  }
0xa1: {  	[tilespmem:s9], [sflag:$0x1] =	stream.indirect_vreg.gather [hbm4b:s5+s3], $0x80, v3, vm0, $0xb8;
	[tilespmem:$0x18100] =	vst v63  }
0xa2: {  	v3 =	vld [tilespmem:$0x70];
	_ =	sdelay $0x4  }
0xa3: {  	v55 =	vshrl.u32 v3, $0x3  }
0xa4: {  	v4 =	vmul.u32 $0x30, v55  }
0xa5: {  	v3 =	vand.u32 $0x7, v3  }
0xa6: {  	v3 =	vor.u32 v3, v4  }
0xa7: {  	v4 =	vperm.xlane v3, v0;
	_ =	sdelay $0x1  }
0xa8: {  	v4 =	vadd.s32 v1, v4;
	_ =	sdelay $0x3  }
0xa9: {  	s9 =	simm.s32 $0x15100;
	v3 =	vperm.xlane v3, v2  }
0xaa: {  	[tilespmem:s9], [sflag:$0x1] =	stream.indirect_vreg.gather [hbm4b:s1+s3], $0x80, v4, vm0, $0xb8;
	[tilespmem:$0x18100] =	vst v63  }
0xab: {  	v3 =	vadd.s32 v1, v3;
	s9 =	simm.s32 $0x15900  }
0xac: {  	[tilespmem:s9], [sflag:$0x1] =	stream.indirect_vreg.gather [hbm4b:s4+s3], $0x80, v4, vm0, $0xb8;
	[tilespmem:$0x18100] =	vst v63  }
0xad: {  	s9 =	simm.s32 $0x16100  }
0xae: {  	[tilespmem:s9], [sflag:$0x1] =	stream.indirect_vreg.gather [hbm4b:s5+s3], $0x80, v4, vm0, $0xb8;
	[tilespmem:$0x18100] =	vst v63  }
0xaf: {  	s9 =	simm.s32 $0x16900  }
0xb0: {  	[tilespmem:s9], [sflag:$0x1] =	stream.indirect_vreg.gather [hbm4b:s1+s3], $0x80, v3, vm0, $0xb8;
	[tilespmem:$0x18100] =	vst v63  }
0xb1: {  	s9 =	simm.s32 $0x17100  }
0xb2: {  	[tilespmem:s9], [sflag:$0x1] =	stream.indirect_vreg.gather [hbm4b:s4+s3], $0x80, v3, vm0, $0xb8;
	[tilespmem:$0x18100] =	vst v63  }
0xb3: {  	s9 =	simm.s32 $0x17900  }
0xb4: {  	[tilespmem:s9], [sflag:$0x1] =	stream.indirect_vreg.gather [hbm4b:s5+s3], $0x80, v3, vm0, $0xb8;
	[tilespmem:$0x18100] =	vst v63  }
0xb5: {  	_ =	swait.ge [sflag:s2], $0x18000  }
0xb6: {  	[sflag:s2] =	ssyncset.done $0x0  }
0xb7: {  	[sflag:s2] =	ssyncadd.s32 $0xFFFE8000  }
0xb8: {  	[bflag:$0x0] =	sbarrier.arrive $0xFFFF  }
0xb9: {  	s0 =	simm.s32 $0x100;
	s9 =	rddreg [dreg:$0x5]  }
0xba: {  	[hbm4b:s9+s3] =	stream.linear.scatter [tilespmem:s0], [sflag:$0x2], $0x18000, $0x38;
	[tilespmem:$0x18100] =	vst v63  }
0xbb: {  	_ =	swait.ge [sflag:s7], $0x18000  }
0xbc: {  	[sflag:s7] =	ssyncset.done $0x0  }
0xbd: {  	[sflag:s7] =	ssyncadd.s32 $0xFFFE8000  }
0xbe: {  	[bflag:$0x0] =	sbarrier.arrive $0xFFFF  }
0xbf: {  	v3 =	vld [tilespmem:$0x80];
	_ =	sdelay $0x4  }
0xc0: {  	v56 =	vshrl.u32 v3, $0x3  }
0xc1: {  	v4 =	vmul.u32 $0x30, v56  }
0xc2: {  	v3 =	vand.u32 $0x7, v3  }
0xc3: {  	v3 =	vor.u32 v3, v4  }
0xc4: {  	v4 =	vperm.xlane v3, v0;
	_ =	sdelay $0x1  }
0xc5: {  	v4 =	vadd.s32 v1, v4;
	_ =	sdelay $0x3  }
0xc6: {  	v3 =	vperm.xlane v3, v2  }
0xc7: {  	[tilespmem:s0], [sflag:$0x1] =	stream.indirect_vreg.gather [hbm4b:s1+s3], $0x80, v4, vm0, $0xb8;
	[tilespmem:$0x18100] =	vst v63  }
0xc8: {  	v3 =	vadd.s32 v1, v3  }
0xc9: {  	[tilespmem:s10], [sflag:$0x1] =	stream.indirect_vreg.gather [hbm4b:s4+s3], $0x80, v4, vm0, $0xb8;
	[tilespmem:$0x18100] =	vst v63  }
0xca: {  	_ = 	snop  }
0xcb: {  	[tilespmem:s11], [sflag:$0x1] =	stream.indirect_vreg.gather [hbm4b:s5+s3], $0x80, v4, vm0, $0xb8;
	[tilespmem:$0x18100] =	vst v63  }
0xcc: {  	_ = 	snop  }
0xcd: {  	[tilespmem:s12], [sflag:$0x1] =	stream.indirect_vreg.gather [hbm4b:s1+s3], $0x80, v3, vm0, $0xb8;
	[tilespmem:$0x18100] =	vst v63  }
0xce: {  	_ = 	snop  }
0xcf: {  	[tilespmem:s13], [sflag:$0x1] =	stream.indirect_vreg.gather [hbm4b:s4+s3], $0x80, v3, vm0, $0xb8;
	[tilespmem:$0x18100] =	vst v63  }
0xd0: {  	_ = 	snop  }
0xd1: {  	[tilespmem:s14], [sflag:$0x1] =	stream.indirect_vreg.gather [hbm4b:s5+s3], $0x80, v3, vm0, $0xb8;
	[tilespmem:$0x18100] =	vst v63  }
0xd2: {  	v3 =	vld [tilespmem:$0x90];
	_ =	sdelay $0x4  }
0xd3: {  	v57 =	vshrl.u32 v3, $0x3  }
0xd4: {  	v4 =	vmul.u32 $0x30, v57  }
0xd5: {  	v3 =	vand.u32 $0x7, v3  }
0xd6: {  	v3 =	vor.u32 v3, v4  }
0xd7: {  	v4 =	vperm.xlane v3, v0;
	_ =	sdelay $0x1  }
0xd8: {  	v4 =	vadd.s32 v1, v4;
	_ =	sdelay $0x3  }
0xd9: {  	v3 =	vperm.xlane v3, v2  }
0xda: {  	[tilespmem:s15], [sflag:$0x1] =	stream.indirect_vreg.gather [hbm4b:s1+s3], $0x80, v4, vm0, $0xb8;
	[tilespmem:$0x18100] =	vst v63  }
0xdb: {  	v3 =	vadd.s32 v1, v3  }
0xdc: {  	[tilespmem:s16], [sflag:$0x1] =	stream.indirect_vreg.gather [hbm4b:s4+s3], $0x80, v4, vm0, $0xb8;
	[tilespmem:$0x18100] =	vst v63  }
0xdd: {  	_ = 	snop  }
0xde: {  	[tilespmem:s17], [sflag:$0x1] =	stream.indirect_vreg.gather [hbm4b:s5+s3], $0x80, v4, vm0, $0xb8;
	[tilespmem:$0x18100] =	vst v63  }
0xdf: {  	_ = 	snop  }
0xe0: {  	[tilespmem:s18], [sflag:$0x1] =	stream.indirect_vreg.gather [hbm4b:s1+s3], $0x80, v3, vm0, $0xb8;
	[tilespmem:$0x18100] =	vst v63  }
0xe1: {  	_ = 	snop  }
0xe2: {  	[tilespmem:s19], [sflag:$0x1] =	stream.indirect_vreg.gather [hbm4b:s4+s3], $0x80, v3, vm0, $0xb8;
	[tilespmem:$0x18100] =	vst v63  }
0xe3: {  	_ = 	snop  }
0xe4: {  	[tilespmem:s20], [sflag:$0x1] =	stream.indirect_vreg.gather [hbm4b:s5+s3], $0x80, v3, vm0, $0xb8;
	[tilespmem:$0x18100] =	vst v63  }
0xe5: {  	v3 =	vld [tilespmem:$0xA0];
	_ =	sdelay $0x4  }
0xe6: {  	v58 =	vshrl.u32 v3, $0x3  }
0xe7: {  	v4 =	vmul.u32 $0x30, v58  }
0xe8: {  	v3 =	vand.u32 $0x7, v3  }
0xe9: {  	v3 =	vor.u32 v3, v4  }
0xea: {  	v4 =	vperm.xlane v3, v0;
	_ =	sdelay $0x1  }
0xeb: {  	v4 =	vadd.s32 v1, v4;
	_ =	sdelay $0x3  }
0xec: {  	v3 =	vperm.xlane v3, v2  }
0xed: {  	[tilespmem:s21], [sflag:$0x1] =	stream.indirect_vreg.gather [hbm4b:s1+s3], $0x80, v4, vm0, $0xb8;
	[tilespmem:$0x18100] =	vst v63  }
0xee: {  	v3 =	vadd.s32 v1, v3  }
0xef: {  	[tilespmem:s22], [sflag:$0x1] =	stream.indirect_vreg.gather [hbm4b:s4+s3], $0x80, v4, vm0, $0xb8;
	[tilespmem:$0x18100] =	vst v63  }
0xf0: {  	_ = 	snop  }
0xf1: {  	[tilespmem:s23], [sflag:$0x1] =	stream.indirect_vreg.gather [hbm4b:s5+s3], $0x80, v4, vm0, $0xb8;
	[tilespmem:$0x18100] =	vst v63  }
0xf2: {  	_ = 	snop  }
0xf3: {  	[tilespmem:s24], [sflag:$0x1] =	stream.indirect_vreg.gather [hbm4b:s1+s3], $0x80, v3, vm0, $0xb8;
	[tilespmem:$0x18100] =	vst v63  }
0xf4: {  	_ = 	snop  }
0xf5: {  	[tilespmem:s25], [sflag:$0x1] =	stream.indirect_vreg.gather [hbm4b:s4+s3], $0x80, v3, vm0, $0xb8;
	[tilespmem:$0x18100] =	vst v63  }
0xf6: {  	_ = 	snop  }
0xf7: {  	[tilespmem:s26], [sflag:$0x1] =	stream.indirect_vreg.gather [hbm4b:s5+s3], $0x80, v3, vm0, $0xb8;
	[tilespmem:$0x18100] =	vst v63  }
0xf8: {  	v3 =	vld [tilespmem:$0xB0];
	_ =	sdelay $0x4  }
0xf9: {  	v59 =	vshrl.u32 v3, $0x3  }
0xfa: {  	v4 =	vmul.u32 $0x30, v59  }
0xfb: {  	v3 =	vand.u32 $0x7, v3  }
0xfc: {  	v3 =	vor.u32 v3, v4  }
0xfd: {  	v4 =	vperm.xlane v3, v0;
	_ =	sdelay $0x1  }
0xfe: {  	v4 =	vadd.s32 v1, v4;
	_ =	sdelay $0x3  }
0xff: {  	v3 =	vperm.xlane v3, v2  }
0x100: {  	[tilespmem:s28], [sflag:$0x1] =	stream.indirect_vreg.gather [hbm4b:s1+s3], $0x80, v4, vm0, $0xb8;
	[tilespmem:$0x18100] =	vst v63  }
0x101: {  	v3 =	vadd.s32 v1, v3  }
0x102: {  	[tilespmem:s29], [sflag:$0x1] =	stream.indirect_vreg.gather [hbm4b:s4+s3], $0x80, v4, vm0, $0xb8;
	[tilespmem:$0x18100] =	vst v63  }
0x103: {  	_ = 	snop  }
0x104: {  	[tilespmem:s30], [sflag:$0x1] =	stream.indirect_vreg.gather [hbm4b:s5+s3], $0x80, v4, vm0, $0xb8;
	[tilespmem:$0x18100] =	vst v63  }
0x105: {  	_ = 	snop  }
0x106: {  	[tilespmem:s31], [sflag:$0x1] =	stream.indirect_vreg.gather [hbm4b:s1+s3], $0x80, v3, vm0, $0xb8;
	[tilespmem:$0x18100] =	vst v63  }
0x107: {  	s9 =	simm.s32 $0xB100  }
0x108: {  	[tilespmem:s9], [sflag:$0x1] =	stream.indirect_vreg.gather [hbm4b:s4+s3], $0x80, v3, vm0, $0xb8;
	[tilespmem:$0x18100] =	vst v63  }
0x109: {  	_ = 	snop  }
0x10a: {  	[tilespmem:s8], [sflag:$0x1] =	stream.indirect_vreg.gather [hbm4b:s5+s3], $0x80, v3, vm0, $0xb8;
	[tilespmem:$0x18100] =	vst v63  }
0x10b: {  	v3 =	vld [tilespmem:$0xC0];
	_ =	sdelay $0x4  }
0x10c: {  	v60 =	vshrl.u32 v3, $0x3  }
0x10d: {  	v4 =	vmul.u32 $0x30, v60  }
0x10e: {  	v3 =	vand.u32 $0x7, v3  }
0x10f: {  	v3 =	vor.u32 v3, v4  }
0x110: {  	v4 =	vperm.xlane v3, v0;
	_ =	sdelay $0x1  }
0x111: {  	v4 =	vadd.s32 v1, v4;
	_ =	sdelay $0x3  }
0x112: {  	s10 =	simm.s32 $0xC100;
	v3 =	vperm.xlane v3, v2  }
0x113: {  	[tilespmem:s10], [sflag:$0x1] =	stream.indirect_vreg.gather [hbm4b:s1+s3], $0x80, v4, vm0, $0xb8;
	[tilespmem:$0x18100] =	vst v63  }
0x114: {  	s11 =	simm.s32 $0xC900;
	v3 =	vadd.s32 v1, v3  }
0x115: {  	[tilespmem:s11], [sflag:$0x1] =	stream.indirect_vreg.gather [hbm4b:s4+s3], $0x80, v4, vm0, $0xb8;
	[tilespmem:$0x18100] =	vst v63  }
0x116: {  	s9 =	simm.s32 $0xD100  }
0x117: {  	[tilespmem:s9], [sflag:$0x1] =	stream.indirect_vreg.gather [hbm4b:s5+s3], $0x80, v4, vm0, $0xb8;
	[tilespmem:$0x18100] =	vst v63  }
0x118: {  	s10 =	simm.s32 $0xD900  }
0x119: {  	[tilespmem:s10], [sflag:$0x1] =	stream.indirect_vreg.gather [hbm4b:s1+s3], $0x80, v3, vm0, $0xb8;
	[tilespmem:$0x18100] =	vst v63  }
0x11a: {  	s11 =	simm.s32 $0xE100  }
0x11b: {  	[tilespmem:s11], [sflag:$0x1] =	stream.indirect_vreg.gather [hbm4b:s4+s3], $0x80, v3, vm0, $0xb8;
	[tilespmem:$0x18100] =	vst v63  }
0x11c: {  	s9 =	simm.s32 $0xE900  }
0x11d: {  	[tilespmem:s9], [sflag:$0x1] =	stream.indirect_vreg.gather [hbm4b:s5+s3], $0x80, v3, vm0, $0xb8;
	[tilespmem:$0x18100] =	vst v63  }
0x11e: {  	v3 =	vld [tilespmem:$0xD0];
	_ =	sdelay $0x4  }
0x11f: {  	v61 =	vshrl.u32 v3, $0x3  }
0x120: {  	v4 =	vmul.u32 $0x30, v61  }
0x121: {  	v3 =	vand.u32 $0x7, v3  }
0x122: {  	v3 =	vor.u32 v3, v4  }
0x123: {  	v4 =	vperm.xlane v3, v0;
	_ =	sdelay $0x1  }
0x124: {  	v4 =	vadd.s32 v1, v4;
	_ =	sdelay $0x3  }
0x125: {  	s10 =	simm.s32 $0xF100;
	v3 =	vperm.xlane v3, v2  }
0x126: {  	[tilespmem:s10], [sflag:$0x1] =	stream.indirect_vreg.gather [hbm4b:s1+s3], $0x80, v4, vm0, $0xb8;
	[tilespmem:$0x18100] =	vst v63  }
0x127: {  	s11 =	simm.s32 $0xF900;
	v3 =	vadd.s32 v1, v3  }
0x128: {  	[tilespmem:s11], [sflag:$0x1] =	stream.indirect_vreg.gather [hbm4b:s4+s3], $0x80, v4, vm0, $0xb8;
	[tilespmem:$0x18100] =	vst v63  }
0x129: {  	s9 =	simm.s32 $0x10100  }
0x12a: {  	[tilespmem:s9], [sflag:$0x1] =	stream.indirect_vreg.gather [hbm4b:s5+s3], $0x80, v4, vm0, $0xb8;
	[tilespmem:$0x18100] =	vst v63  }
0x12b: {  	s10 =	simm.s32 $0x10900  }
0x12c: {  	[tilespmem:s10], [sflag:$0x1] =	stream.indirect_vreg.gather [hbm4b:s1+s3], $0x80, v3, vm0, $0xb8;
	[tilespmem:$0x18100] =	vst v63  }
0x12d: {  	s11 =	simm.s32 $0x11100  }
0x12e: {  	[tilespmem:s11], [sflag:$0x1] =	stream.indirect_vreg.gather [hbm4b:s4+s3], $0x80, v3, vm0, $0xb8;
	[tilespmem:$0x18100] =	vst v63  }
0x12f: {  	s9 =	simm.s32 $0x11900  }
0x130: {  	[tilespmem:s9], [sflag:$0x1] =	stream.indirect_vreg.gather [hbm4b:s5+s3], $0x80, v3, vm0, $0xb8;
	[tilespmem:$0x18100] =	vst v63  }
0x131: {  	v3 =	vld [tilespmem:$0xE0];
	_ =	sdelay $0x4  }
0x132: {  	v62 =	vshrl.u32 v3, $0x3  }
0x133: {  	v4 =	vmul.u32 $0x30, v62  }
0x134: {  	v3 =	vand.u32 $0x7, v3  }
0x135: {  	v3 =	vor.u32 v3, v4  }
0x136: {  	v4 =	vperm.xlane v3, v0;
	_ =	sdelay $0x1  }
0x137: {  	v4 =	vadd.s32 v1, v4;
	_ =	sdelay $0x3  }
0x138: {  	s10 =	simm.s32 $0x12100;
	v3 =	vperm.xlane v3, v2  }
0x139: {  	[tilespmem:s10], [sflag:$0x1] =	stream.indirect_vreg.gather [hbm4b:s1+s3], $0x80, v4, vm0, $0xb8;
	[tilespmem:$0x18100] =	vst v63  }
0x13a: {  	s11 =	simm.s32 $0x12900;
	v3 =	vadd.s32 v1, v3  }
0x13b: {  	[tilespmem:s11], [sflag:$0x1] =	stream.indirect_vreg.gather [hbm4b:s4+s3], $0x80, v4, vm0, $0xb8;
	[tilespmem:$0x18100] =	vst v63  }
0x13c: {  	s9 =	simm.s32 $0x13100  }
0x13d: {  	[tilespmem:s9], [sflag:$0x1] =	stream.indirect_vreg.gather [hbm4b:s5+s3], $0x80, v4, vm0, $0xb8;
	[tilespmem:$0x18100] =	vst v63  }
0x13e: {  	s10 =	simm.s32 $0x13900  }
0x13f: {  	[tilespmem:s10], [sflag:$0x1] =	stream.indirect_vreg.gather [hbm4b:s1+s3], $0x80, v3, vm0, $0xb8;
	[tilespmem:$0x18100] =	vst v63  }
0x140: {  	s11 =	simm.s32 $0x14100  }
0x141: {  	[tilespmem:s11], [sflag:$0x1] =	stream.indirect_vreg.gather [hbm4b:s4+s3], $0x80, v3, vm0, $0xb8;
	[tilespmem:$0x18100] =	vst v63  }
0x142: {  	s9 =	simm.s32 $0x14900  }
0x143: {  	[tilespmem:s9], [sflag:$0x1] =	stream.indirect_vreg.gather [hbm4b:s5+s3], $0x80, v3, vm0, $0xb8;
	[tilespmem:$0x18100] =	vst v63  }
0x144: {  	v3 =	vld [tilespmem:$0xF0];
	_ =	sdelay $0x4  }
0x145: {  	v63 =	vshrl.u32 v3, $0x3  }
0x146: {  	v4 =	vmul.u32 $0x30, v63  }
0x147: {  	v3 =	vand.u32 $0x7, v3  }
0x148: {  	v3 =	vor.u32 v3, v4  }
0x149: {  	v4 =	vperm.xlane v3, v0;
	_ =	sdelay $0x1  }
0x14a: {  	v4 =	vadd.s32 v1, v4;
	_ =	sdelay $0x3  }
0x14b: {  	s10 =	simm.s32 $0x15100;
	v3 =	vperm.xlane v3, v2  }
0x14c: {  	[tilespmem:s10], [sflag:$0x1] =	stream.indirect_vreg.gather [hbm4b:s1+s3], $0x80, v4, vm0, $0xb8;
	[tilespmem:$0x18100] =	vst v63  }
0x14d: {  	s11 =	simm.s32 $0x15900;
	v3 =	vadd.s32 v1, v3  }
0x14e: {  	[tilespmem:s11], [sflag:$0x1] =	stream.indirect_vreg.gather [hbm4b:s4+s3], $0x80, v4, vm0, $0xb8;
	[tilespmem:$0x18100] =	vst v63  }
0x14f: {  	s9 =	simm.s32 $0x16100  }
0x150: {  	[tilespmem:s9], [sflag:$0x1] =	stream.indirect_vreg.gather [hbm4b:s5+s3], $0x80, v4, vm0, $0xb8;
	[tilespmem:$0x18100] =	vst v63  }
0x151: {  	s10 =	simm.s32 $0x16900  }
0x152: {  	[tilespmem:s10], [sflag:$0x1] =	stream.indirect_vreg.gather [hbm4b:s1+s3], $0x80, v3, vm0, $0xb8;
	[tilespmem:$0x18100] =	vst v63  }
0x153: {  	s11 =	simm.s32 $0x17100  }
0x154: {  	[tilespmem:s11], [sflag:$0x1] =	stream.indirect_vreg.gather [hbm4b:s4+s3], $0x80, v3, vm0, $0xb8;
	[tilespmem:$0x18100] =	vst v63  }
0x155: {  	s9 =	simm.s32 $0x17900  }
0x156: {  	[tilespmem:s9], [sflag:$0x1] =	stream.indirect_vreg.gather [hbm4b:s5+s3], $0x80, v3, vm0, $0xb8;
	[tilespmem:$0x18100] =	vst v63  }
0x157: {  	_ =	swait.ge [sflag:s2], $0x18000  }
0x158: {  	[sflag:s2] =	ssyncset.done $0x0  }
0x159: {  	[sflag:s2] =	ssyncadd.s32 $0xFFFE8000  }
0x15a: {  	[bflag:$0x0] =	sbarrier.arrive $0xFFFF  }
0x15b: {  	p0 =	sne.s32 s6, $0x1;
	s11 =	simm.s32 $0x100;
	s10 =	rddreg [dreg:$0x6]  }
0x15c: {  	[hbm4b:s10+s3] =	stream.linear.scatter [tilespmem:s11], [sflag:$0x2], $0x18000, $0x38;
	[tilespmem:$0x18100] =	vst v63  }
.Ltmp0:
0x15d: {  	_ =	swait.ge [sflag:s7], $0x18000;
	(pc) =	sbr.rel @p0 .LBB2_1-.Ltmp0, $4  }
0x15e: {  	[sflag:s7] =	ssyncset.done $0x0  }
0x15f: {  	[sflag:s7] =	ssyncadd.s32 $0xFFFE8000  }
0x160: {  	[bflag:$0x0] =	sbarrier.arrive $0xFFFF  }
0x161: {  	s6 =	sadd.s32 $0xFFFFFFFF, s6  }
0x162: {  	_ =	sfence.sel $0x180000  }
0x163: {  	[bflag:$0x0] =	sbarrier.arrive $0xFFFF  }
0x164: {  	_ =	strace $0x90000047  }
0x165: {  	s0 =	stileid.u32;
	[bflag:$0x2] =	sbarrier.arrive $0xFFFF  }
0x166: {  	p0 =	sne.s32 s0, $0x0;
	s0 =	rddreg [dreg:$0x3]  }
0x167: {  	s0 =	sadd.s32 @!p0 $0x100000, s0  }
0x168: {  	[sflag:s0] =	ssyncadd.tile.s32 @!p0 $0x1;
	_ =	shalt  }
.Lfunc_end2:
_tile_overlayer_lowered:
.L_overlay_start_2:
0x169: {  	(tag) =	ssettag $0x2  }
0x16a: {  	s0 =	rddreg [dreg:$0x0];
	s2 =	stileid.u32  }
0x16b: {  	s1 =	rddreg [dreg:$0x1];
	p0 =	sne.s32 s2, $0x0  }
0x16c: {  	s3 =	rddreg [dreg:$0x2];
	[bflag:$0x3] =	sbarrier.arrive $0xFFFF;
	s2 =	simm.s32 @!p0 $0x1C02  }
0x16d: {  	[timem:s3], [sflag:s2] =	dma.local @!p0 [hbm:s0], s1  }
0x16e: {  	s0 =	simm.s32 @!p0 $0x2  }
0x16f: {  	_ =	swait.ge @!p0 [sflag:s0], s1  }
0x170: {  	s1 =	ssub.s32 @!p0 $0x0, s1;
	[sflag:s0] =	ssyncset.done @!p0 $0x0  }
0x171: {  	[sflag:s0] =	ssyncadd.s32 @!p0 s1  }
0x172: {  	[bflag:$0x3] =	sbarrier.arrive $0xFFFF  }
0x173: {  	_ =	shalt  }

</sc_bundles>
